<compile_context>
chip_gen: v7x
topology: tpu7x:2x2x1
jax: 0.10.2.dev20260603
libtpu: 0.0.44.dev20260713+nightly
codegen_flags: <defaults>
</compile_context>

<pallas_src>
import functools

import jax
import jax.numpy as jnp
from jax.experimental import pallas as pl
from jax.experimental.pallas import tpu as pltpu


def _moe_kernel(x_ref, wg_ref, bg_ref, wfc_ref, wproj_ref, out_ref, gate_ref,
                *, block_w, num_experts, top_k):
    i = pl.program_id(0)

    @pl.when(i == 0)
    def _router():
        x = x_ref[...]
        logits = jnp.dot(x, wg_ref[...], preferred_element_type=jnp.float32,
                         precision=jax.lax.Precision.HIGHEST) + bg_ref[...]
        m = jnp.max(logits, axis=-1, keepdims=True)
        p = jnp.exp(logits - m)
        p = p / jnp.sum(p, axis=-1, keepdims=True)
        eidx = jax.lax.broadcasted_iota(jnp.int32, p.shape, 1)
        rank = jnp.zeros(p.shape, dtype=jnp.int32)
        for j in range(num_experts):
            pj = p[:, j:j + 1]
            beats = (pj > p) | ((pj == p) & (j < eidx))
            rank = rank + beats.astype(jnp.int32)
        sel = (rank < top_k).astype(jnp.float32)
        psel = p * sel
        denom = jnp.sum(psel, axis=-1, keepdims=True)
        gate_ref[...] = psel / denom
        out_ref[...] = jnp.zeros_like(out_ref)

    x = x_ref[...]
    h = jnp.dot(x, wfc_ref[...], preferred_element_type=jnp.float32)
    h = jax.nn.gelu(h, approximate=True)
    gate = gate_ref[...]
    col_mod = jax.lax.broadcasted_iota(
        jnp.int32, (h.shape[0], block_w), 1) % num_experts
    scale = jnp.zeros_like(h)
    for e in range(num_experts):
        scale = scale + jnp.where(col_mod == e, gate[:, e:e + 1], 0.0)
    h = h * scale
    out_ref[...] += jnp.dot(h, wproj_ref[...],
                            preferred_element_type=jnp.float32)


def kernel(x, w_gate, b_gate, w_fc, w_proj):
    B, T, C = x.shape
    E = w_gate.shape[-1]
    HE = w_fc.shape[-1]
    H = HE // E
    x2 = x.reshape(B * T, C)
    bg2 = b_gate.reshape(1, E)
    wp_r = w_proj.reshape(H, C, E).transpose(0, 2, 1).reshape(HE, C)

    block_w = 1536
    num_blocks = HE // block_w

    out = pl.pallas_call(
        functools.partial(_moe_kernel, block_w=block_w, num_experts=E,
                          top_k=2),
        grid=(num_blocks,),
        in_specs=[
            pl.BlockSpec((B * T, C), lambda i: (0, 0)),
            pl.BlockSpec((C, E), lambda i: (0, 0)),
            pl.BlockSpec((1, E), lambda i: (0, 0)),
            pl.BlockSpec((C, block_w), lambda i: (0, i)),
            pl.BlockSpec((block_w, C), lambda i: (i, 0)),
        ],
        out_specs=pl.BlockSpec((B * T, C), lambda i: (0, 0)),
        out_shape=jax.ShapeDtypeStruct((B * T, C), jnp.float32),
        scratch_shapes=[pltpu.VMEM((B * T, E), jnp.float32)],
        compiler_params=pltpu.CompilerParams(
            dimension_semantics=("arbitrary",)),
    )(x2, w_gate, bg2, w_fc, wp_r)
    return out.reshape(B, T, C)

# --- scband reference (transcript-rebuilt; emitter-appended) ---
"""Pipeline reference for scband-moe-81698867904814 (READ-ONLY COPY).

The authoritative reference and input builder live on the scoring server;
editing this copy changes nothing except your own understanding.
"""

import jax, jax.numpy as jnp
import numpy as np

B, T, C = 1, 32, 768
H = 1536
E = 8
K = 2
N_LAYER = 12


def setup_inputs(seed: int = 0) -> dict:
    key = jax.random.key(seed)
    k_x, k_g, k_fc, k_pr = jax.random.split(key, 4)
    x = jax.random.normal(k_x, (B, T, C), dtype=jnp.float32)
    w_gate = jax.random.normal(k_g, (C, E), dtype=jnp.float32) * 0.02
    b_gate = jnp.zeros((E,), dtype=jnp.float32)
    w_fc = jax.random.normal(k_fc, (C, H * E), dtype=jnp.float32) * 0.02
    w_proj = jax.random.normal(k_pr, (H * E, C), dtype=jnp.float32) * (0.02 * (2 * N_LAYER) ** (-0.5))
    return {"x": x, "w_gate": w_gate, "b_gate": b_gate, "w_fc": w_fc, "w_proj": w_proj}


def reference(x, w_gate, b_gate, w_fc, w_proj):
    Bx, Tx, Cx = x.shape
    # router
    router_logits = x @ w_gate + b_gate                      # [B,T,E]
    router_probs = jax.nn.softmax(router_logits, axis=-1)
    top_k_probs, top_k_idx = jax.lax.top_k(router_probs, K)  # [B,T,K]
    top_k_total = jnp.sum(top_k_probs, axis=-1)
    top_k_probs = top_k_probs / top_k_total[..., None]
    # expert up-projection: gather per-token expert kernels
    c_fc_kernel = w_fc.reshape(Cx, H, E)
    c_fc_top_k = jnp.take(c_fc_kernel, top_k_idx, axis=-1)   # [C,H,B,T,K]
    h = jnp.einsum('btc,chbtk->bthk', x, c_fc_top_k)
    h = jax.nn.gelu(h, approximate=True)
    # expert down-projection (note: reshape matches original code exactly)
    c_proj_kernel = w_proj.reshape(H, Cx, E)
    c_proj_top_k = jnp.take(c_proj_kernel, top_k_idx, axis=-1)  # [H,C,B,T,K]
    o = jnp.einsum('bthk,hcbtk->btck', h, c_proj_top_k)
    o = jnp.einsum('btck,btk->btc', o, top_k_probs)
    return o

if __name__ == "__main__":
    import jax
    _d = setup_inputs()
    print(jax.jit(kernel)(*tuple(_d.values())))

</pallas_src>

<mosaic_0001>
module attributes {stable_mosaic.version = 14 : i64} {
  func.func @_moe_kernel(%arg0: i32, %arg1: memref<32x768xf32, #tpu.memory_space<vmem>>, %arg2: memref<768x8xf32, #tpu.memory_space<vmem>>, %arg3: memref<1x8xf32, #tpu.memory_space<vmem>>, %arg4: memref<768x1536xf32, #tpu.memory_space<vmem>>, %arg5: memref<1536x768xf32, #tpu.memory_space<vmem>>, %arg6: memref<32x768xf32, #tpu.memory_space<vmem>>, %arg7: memref<32x8xf32, #tpu.memory_space<vmem>>) attributes {dimension_semantics = [#tpu.dimension_semantics<arbitrary>], iteration_bounds = array<i64: 8>, scalar_prefetch = 0 : i64, scratch_operands = 1 : i64, tpu.core_type = #tpu.core_type<tc>, window_params = [{pipeline_mode = #tpu.pipeline_mode<synchronous>, transform_indices = @transform_0, window_bounds = array<i64: 32, 768>}, {pipeline_mode = #tpu.pipeline_mode<synchronous>, transform_indices = @transform_1, window_bounds = array<i64: 768, 8>}, {pipeline_mode = #tpu.pipeline_mode<synchronous>, transform_indices = @transform_2, window_bounds = array<i64: 1, 8>}, {transform_indices = @transform_3, window_bounds = array<i64: 768, 1536>}, {transform_indices = @transform_4, window_bounds = array<i64: 1536, 768>}, {pipeline_mode = #tpu.pipeline_mode<synchronous>, transform_indices = @transform_5, window_bounds = array<i64: 32, 768>}]} {
    %eq3A = arith.constant 0 : i32
    %eq3A_0 = arith.cmpi eq, %arg0, %eq3A : i32
    %convert_element_type3A = arith.extui %eq3A_0 : i1 to i32
    %cond3A = arith.constant 0 : i32
    %cond3A_1 = arith.cmpi ne, %convert_element_type3A, %cond3A : i32
    scf.if %cond3A_1 {
      %get3A_132 = arith.constant 0 : index
      %get3A_133 = arith.constant 0 : index
      %get3A_134 = vector.load %arg1[%get3A_132, %get3A_133] : memref<32x768xf32, #tpu.memory_space<vmem>>, vector<32x768xf32>
      %get3A_135 = arith.constant 0 : index
      %get3A_136 = arith.constant 0 : index
      %get3A_137 = vector.load %arg2[%get3A_135, %get3A_136] : memref<768x8xf32, #tpu.memory_space<vmem>>, vector<768x8xf32>
      %dot_general3A_138 = arith.constant dense<0.000000e+00> : vector<32x8xf32>
      %dot_general3A_139 = tpu.matmul %get3A_134, %get3A_137, %dot_general3A_138 {dimension_numbers = #tpu.dot_dimension_numbers<[1], [0], [0], [1], [0, 0, 1, 1], [], []>, precision = #tpu.contract_precision<fp32>, transpose_lhs_hint = false} : vector<32x768xf32>, vector<768x8xf32>, vector<32x8xf32> -> vector<32x8xf32>
      %get3A_140 = arith.constant 0 : index
      %get3A_141 = arith.constant 0 : index
      %get3A_142 = vector.load %arg3[%get3A_140, %get3A_141] : memref<1x8xf32, #tpu.memory_space<vmem>>, vector<1x8xf32>
      %add3A_143 = vector.broadcast %get3A_142 : vector<1x8xf32> to vector<32x8xf32>
      %add3A_144 = arith.addf %dot_general3A_139, %add3A_143 : vector<32x8xf32>
      %reduce_max3A = arith.constant dense<0xFF800000> : vector<32xf32>
      %reduce_max3A_145 = vector.multi_reduction <maximumf>, %add3A_144, %reduce_max3A [1] : vector<32x8xf32> to vector<32xf32>
      %broadcast_in_dim3A_146 = vector.shape_cast %reduce_max3A_145 : vector<32xf32> to vector<32x1xf32>
      %sub3A = vector.broadcast %broadcast_in_dim3A_146 : vector<32x1xf32> to vector<32x8xf32>
      %sub3A_147 = arith.subf %add3A_144, %sub3A : vector<32x8xf32>
      %exp3A = math.exp %sub3A_147 : vector<32x8xf32>
      %reduce_sum3A = arith.constant dense<0.000000e+00> : vector<32xf32>
      %reduce_sum3A_148 = vector.multi_reduction <add>, %exp3A, %reduce_sum3A [1] : vector<32x8xf32> to vector<32xf32>
      %broadcast_in_dim3A_149 = vector.shape_cast %reduce_sum3A_148 : vector<32xf32> to vector<32x1xf32>
      %div3A = vector.broadcast %broadcast_in_dim3A_149 : vector<32x1xf32> to vector<32x8xf32>
      %div3A_150 = arith.divf %exp3A, %div3A : vector<32x8xf32>
      %iota3A_151 = tpu.iota {dimensions = array<i32: 1>} : vector<32x8xi32>
      %broadcast_in_dim3A_152 = arith.constant 0 : i32
      %broadcast_in_dim3A_153 = vector.broadcast %broadcast_in_dim3A_152 : i32 to vector<32x8xi32>
      %slice3A_154 = vector.extract_strided_slice %div3A_150 {offsets = [0, 0], sizes = [32, 1], strides = [1, 1]} : vector<32x8xf32> to vector<32x1xf32>
      %gt3A = vector.broadcast %slice3A_154 : vector<32x1xf32> to vector<32x8xf32>
      %gt3A_155 = arith.cmpf ogt, %gt3A, %div3A_150 : vector<32x8xf32>
      %eq3A_156 = vector.broadcast %slice3A_154 : vector<32x1xf32> to vector<32x8xf32>
      %eq3A_157 = arith.cmpf oeq, %eq3A_156, %div3A_150 : vector<32x8xf32>
      %gt3A_158 = arith.constant 0 : i32
      %gt3A_159 = vector.broadcast %gt3A_158 : i32 to vector<32x8xi32>
      %gt3A_160 = arith.cmpi sgt, %iota3A_151, %gt3A_159 : vector<32x8xi32>
      %and3A_161 = arith.andi %eq3A_157, %gt3A_160 : vector<32x8xi1>
      %or3A = arith.ori %gt3A_155, %and3A_161 : vector<32x8xi1>
      %convert_element_type3A_162 = arith.extui %or3A : vector<32x8xi1> to vector<32x8xi32>
      %add3A_163 = arith.addi %broadcast_in_dim3A_153, %convert_element_type3A_162 : vector<32x8xi32>
      %slice3A_164 = vector.extract_strided_slice %div3A_150 {offsets = [0, 1], sizes = [32, 1], strides = [1, 1]} : vector<32x8xf32> to vector<32x1xf32>
      %gt3A_165 = vector.broadcast %slice3A_164 : vector<32x1xf32> to vector<32x8xf32>
      %gt3A_166 = arith.cmpf ogt, %gt3A_165, %div3A_150 : vector<32x8xf32>
      %eq3A_167 = vector.broadcast %slice3A_164 : vector<32x1xf32> to vector<32x8xf32>
      %eq3A_168 = arith.cmpf oeq, %eq3A_167, %div3A_150 : vector<32x8xf32>
      %gt3A_169 = arith.constant 1 : i32
      %gt3A_170 = vector.broadcast %gt3A_169 : i32 to vector<32x8xi32>
      %gt3A_171 = arith.cmpi sgt, %iota3A_151, %gt3A_170 : vector<32x8xi32>
      %and3A_172 = arith.andi %eq3A_168, %gt3A_171 : vector<32x8xi1>
      %or3A_173 = arith.ori %gt3A_166, %and3A_172 : vector<32x8xi1>
      %convert_element_type3A_174 = arith.extui %or3A_173 : vector<32x8xi1> to vector<32x8xi32>
      %add3A_175 = arith.addi %add3A_163, %convert_element_type3A_174 : vector<32x8xi32>
      %slice3A_176 = vector.extract_strided_slice %div3A_150 {offsets = [0, 2], sizes = [32, 1], strides = [1, 1]} : vector<32x8xf32> to vector<32x1xf32>
      %gt3A_177 = vector.broadcast %slice3A_176 : vector<32x1xf32> to vector<32x8xf32>
      %gt3A_178 = arith.cmpf ogt, %gt3A_177, %div3A_150 : vector<32x8xf32>
      %eq3A_179 = vector.broadcast %slice3A_176 : vector<32x1xf32> to vector<32x8xf32>
      %eq3A_180 = arith.cmpf oeq, %eq3A_179, %div3A_150 : vector<32x8xf32>
      %gt3A_181 = arith.constant 2 : i32
      %gt3A_182 = vector.broadcast %gt3A_181 : i32 to vector<32x8xi32>
      %gt3A_183 = arith.cmpi sgt, %iota3A_151, %gt3A_182 : vector<32x8xi32>
      %and3A_184 = arith.andi %eq3A_180, %gt3A_183 : vector<32x8xi1>
      %or3A_185 = arith.ori %gt3A_178, %and3A_184 : vector<32x8xi1>
      %convert_element_type3A_186 = arith.extui %or3A_185 : vector<32x8xi1> to vector<32x8xi32>
      %add3A_187 = arith.addi %add3A_175, %convert_element_type3A_186 : vector<32x8xi32>
      %slice3A_188 = vector.extract_strided_slice %div3A_150 {offsets = [0, 3], sizes = [32, 1], strides = [1, 1]} : vector<32x8xf32> to vector<32x1xf32>
      %gt3A_189 = vector.broadcast %slice3A_188 : vector<32x1xf32> to vector<32x8xf32>
      %gt3A_190 = arith.cmpf ogt, %gt3A_189, %div3A_150 : vector<32x8xf32>
      %eq3A_191 = vector.broadcast %slice3A_188 : vector<32x1xf32> to vector<32x8xf32>
      %eq3A_192 = arith.cmpf oeq, %eq3A_191, %div3A_150 : vector<32x8xf32>
      %gt3A_193 = arith.constant 3 : i32
      %gt3A_194 = vector.broadcast %gt3A_193 : i32 to vector<32x8xi32>
      %gt3A_195 = arith.cmpi sgt, %iota3A_151, %gt3A_194 : vector<32x8xi32>
      %and3A_196 = arith.andi %eq3A_192, %gt3A_195 : vector<32x8xi1>
      %or3A_197 = arith.ori %gt3A_190, %and3A_196 : vector<32x8xi1>
      %convert_element_type3A_198 = arith.extui %or3A_197 : vector<32x8xi1> to vector<32x8xi32>
      %add3A_199 = arith.addi %add3A_187, %convert_element_type3A_198 : vector<32x8xi32>
      %slice3A_200 = vector.extract_strided_slice %div3A_150 {offsets = [0, 4], sizes = [32, 1], strides = [1, 1]} : vector<32x8xf32> to vector<32x1xf32>
      %gt3A_201 = vector.broadcast %slice3A_200 : vector<32x1xf32> to vector<32x8xf32>
      %gt3A_202 = arith.cmpf ogt, %gt3A_201, %div3A_150 : vector<32x8xf32>
      %eq3A_203 = vector.broadcast %slice3A_200 : vector<32x1xf32> to vector<32x8xf32>
      %eq3A_204 = arith.cmpf oeq, %eq3A_203, %div3A_150 : vector<32x8xf32>
      %gt3A_205 = arith.constant 4 : i32
      %gt3A_206 = vector.broadcast %gt3A_205 : i32 to vector<32x8xi32>
      %gt3A_207 = arith.cmpi sgt, %iota3A_151, %gt3A_206 : vector<32x8xi32>
      %and3A_208 = arith.andi %eq3A_204, %gt3A_207 : vector<32x8xi1>
      %or3A_209 = arith.ori %gt3A_202, %and3A_208 : vector<32x8xi1>
      %convert_element_type3A_210 = arith.extui %or3A_209 : vector<32x8xi1> to vector<32x8xi32>
      %add3A_211 = arith.addi %add3A_199, %convert_element_type3A_210 : vector<32x8xi32>
      %slice3A_212 = vector.extract_strided_slice %div3A_150 {offsets = [0, 5], sizes = [32, 1], strides = [1, 1]} : vector<32x8xf32> to vector<32x1xf32>
      %gt3A_213 = vector.broadcast %slice3A_212 : vector<32x1xf32> to vector<32x8xf32>
      %gt3A_214 = arith.cmpf ogt, %gt3A_213, %div3A_150 : vector<32x8xf32>
      %eq3A_215 = vector.broadcast %slice3A_212 : vector<32x1xf32> to vector<32x8xf32>
      %eq3A_216 = arith.cmpf oeq, %eq3A_215, %div3A_150 : vector<32x8xf32>
      %gt3A_217 = arith.constant 5 : i32
      %gt3A_218 = vector.broadcast %gt3A_217 : i32 to vector<32x8xi32>
      %gt3A_219 = arith.cmpi sgt, %iota3A_151, %gt3A_218 : vector<32x8xi32>
      %and3A_220 = arith.andi %eq3A_216, %gt3A_219 : vector<32x8xi1>
      %or3A_221 = arith.ori %gt3A_214, %and3A_220 : vector<32x8xi1>
      %convert_element_type3A_222 = arith.extui %or3A_221 : vector<32x8xi1> to vector<32x8xi32>
      %add3A_223 = arith.addi %add3A_211, %convert_element_type3A_222 : vector<32x8xi32>
      %slice3A_224 = vector.extract_strided_slice %div3A_150 {offsets = [0, 6], sizes = [32, 1], strides = [1, 1]} : vector<32x8xf32> to vector<32x1xf32>
      %gt3A_225 = vector.broadcast %slice3A_224 : vector<32x1xf32> to vector<32x8xf32>
      %gt3A_226 = arith.cmpf ogt, %gt3A_225, %div3A_150 : vector<32x8xf32>
      %eq3A_227 = vector.broadcast %slice3A_224 : vector<32x1xf32> to vector<32x8xf32>
      %eq3A_228 = arith.cmpf oeq, %eq3A_227, %div3A_150 : vector<32x8xf32>
      %gt3A_229 = arith.constant 6 : i32
      %gt3A_230 = vector.broadcast %gt3A_229 : i32 to vector<32x8xi32>
      %gt3A_231 = arith.cmpi sgt, %iota3A_151, %gt3A_230 : vector<32x8xi32>
      %and3A_232 = arith.andi %eq3A_228, %gt3A_231 : vector<32x8xi1>
      %or3A_233 = arith.ori %gt3A_226, %and3A_232 : vector<32x8xi1>
      %convert_element_type3A_234 = arith.extui %or3A_233 : vector<32x8xi1> to vector<32x8xi32>
      %add3A_235 = arith.addi %add3A_223, %convert_element_type3A_234 : vector<32x8xi32>
      %slice3A_236 = vector.extract_strided_slice %div3A_150 {offsets = [0, 7], sizes = [32, 1], strides = [1, 1]} : vector<32x8xf32> to vector<32x1xf32>
      %gt3A_237 = vector.broadcast %slice3A_236 : vector<32x1xf32> to vector<32x8xf32>
      %gt3A_238 = arith.cmpf ogt, %gt3A_237, %div3A_150 : vector<32x8xf32>
      %eq3A_239 = vector.broadcast %slice3A_236 : vector<32x1xf32> to vector<32x8xf32>
      %eq3A_240 = arith.cmpf oeq, %eq3A_239, %div3A_150 : vector<32x8xf32>
      %gt3A_241 = arith.constant 7 : i32
      %gt3A_242 = vector.broadcast %gt3A_241 : i32 to vector<32x8xi32>
      %gt3A_243 = arith.cmpi sgt, %iota3A_151, %gt3A_242 : vector<32x8xi32>
      %and3A_244 = arith.andi %eq3A_240, %gt3A_243 : vector<32x8xi1>
      %or3A_245 = arith.ori %gt3A_238, %and3A_244 : vector<32x8xi1>
      %convert_element_type3A_246 = arith.extui %or3A_245 : vector<32x8xi1> to vector<32x8xi32>
      %add3A_247 = arith.addi %add3A_235, %convert_element_type3A_246 : vector<32x8xi32>
      %lt3A_248 = arith.constant 2 : i32
      %lt3A_249 = vector.broadcast %lt3A_248 : i32 to vector<32x8xi32>
      %lt3A_250 = arith.cmpi slt, %add3A_247, %lt3A_249 : vector<32x8xi32>
      %convert_element_type3A_251 = arith.extui %lt3A_250 : vector<32x8xi1> to vector<32x8xi32>
      %convert_element_type3A_252 = arith.sitofp %convert_element_type3A_251 : vector<32x8xi32> to vector<32x8xf32>
      %mul3A_253 = arith.mulf %div3A_150, %convert_element_type3A_252 : vector<32x8xf32>
      %reduce_sum3A_254 = arith.constant dense<0.000000e+00> : vector<32xf32>
      %reduce_sum3A_255 = vector.multi_reduction <add>, %mul3A_253, %reduce_sum3A_254 [1] : vector<32x8xf32> to vector<32xf32>
      %broadcast_in_dim3A_256 = vector.shape_cast %reduce_sum3A_255 : vector<32xf32> to vector<32x1xf32>
      %div3A_257 = vector.broadcast %broadcast_in_dim3A_256 : vector<32x1xf32> to vector<32x8xf32>
      %div3A_258 = arith.divf %mul3A_253, %div3A_257 : vector<32x8xf32>
      %swap3A_259 = arith.constant 0 : index
      %swap3A_260 = arith.constant 0 : index
      %swap3A_261 = vector.load %arg7[%swap3A_259, %swap3A_260] : memref<32x8xf32, #tpu.memory_space<vmem>>, vector<32x8xf32>
      tpu.vector_store %arg7[%swap3A_259, %swap3A_260], %div3A_258 {strides = array<i32>} : memref<32x8xf32, #tpu.memory_space<vmem>>, vector<32x8xf32>,
      %broadcast_in_dim3A_262 = arith.constant 0.000000e+00 : f32
      %broadcast_in_dim3A_263 = vector.broadcast %broadcast_in_dim3A_262 : f32 to vector<32x768xf32>
      %swap3A_264 = arith.constant 0 : index
      %swap3A_265 = arith.constant 0 : index
      %swap3A_266 = vector.load %arg6[%swap3A_264, %swap3A_265] : memref<32x768xf32, #tpu.memory_space<vmem>>, vector<32x768xf32>
      tpu.vector_store %arg6[%swap3A_264, %swap3A_265], %broadcast_in_dim3A_263 {strides = array<i32>} : memref<32x768xf32, #tpu.memory_space<vmem>>, vector<32x768xf32>,
    } else {
    }
    %get3A = arith.constant 0 : index
    %get3A_2 = arith.constant 0 : index
    %get3A_3 = vector.load %arg1[%get3A, %get3A_2] : memref<32x768xf32, #tpu.memory_space<vmem>>, vector<32x768xf32>
    %get3A_4 = arith.constant 0 : index
    %get3A_5 = arith.constant 0 : index
    %get3A_6 = vector.load %arg4[%get3A_4, %get3A_5] : memref<768x1536xf32, #tpu.memory_space<vmem>>, vector<768x1536xf32>
    %dot_general3A = arith.constant dense<0.000000e+00> : vector<32x1536xf32>
    %dot_general3A_7 = tpu.matmul %get3A_3, %get3A_6, %dot_general3A {dimension_numbers = #tpu.dot_dimension_numbers<[1], [0], [0], [1], [0, 0, 1, 1], [], []>, transpose_lhs_hint = false} : vector<32x768xf32>, vector<768x1536xf32>, vector<32x1536xf32> -> vector<32x1536xf32>
    %integer_pow3A = arith.mulf %dot_general3A_7, %dot_general3A_7 : vector<32x1536xf32>
    %integer_pow3A_8 = arith.mulf %dot_general3A_7, %integer_pow3A : vector<32x1536xf32>
    %mul3A = arith.constant 4.471500e-02 : f32
    %mul3A_9 = vector.broadcast %mul3A : f32 to vector<32x1536xf32>
    %mul3A_10 = arith.mulf %mul3A_9, %integer_pow3A_8 : vector<32x1536xf32>
    %add3A = arith.addf %dot_general3A_7, %mul3A_10 : vector<32x1536xf32>
    %mul3A_11 = arith.constant 0.797884583 : f32
    %mul3A_12 = vector.broadcast %mul3A_11 : f32 to vector<32x1536xf32>
    %mul3A_13 = arith.mulf %mul3A_12, %add3A : vector<32x1536xf32>
    %tanh3A = math.tanh %mul3A_13 : vector<32x1536xf32>
    %add3A_14 = arith.constant 1.000000e+00 : f32
    %add3A_15 = vector.broadcast %add3A_14 : f32 to vector<32x1536xf32>
    %add3A_16 = arith.addf %add3A_15, %tanh3A : vector<32x1536xf32>
    %mul3A_17 = arith.constant 5.000000e-01 : f32
    %mul3A_18 = vector.broadcast %mul3A_17 : f32 to vector<32x1536xf32>
    %mul3A_19 = arith.mulf %mul3A_18, %add3A_16 : vector<32x1536xf32>
    %mul3A_20 = arith.mulf %dot_general3A_7, %mul3A_19 : vector<32x1536xf32>
    %get3A_21 = arith.constant 0 : index
    %get3A_22 = arith.constant 0 : index
    %get3A_23 = vector.load %arg7[%get3A_21, %get3A_22] : memref<32x8xf32, #tpu.memory_space<vmem>>, vector<32x8xf32>
    %iota3A = tpu.iota {dimensions = array<i32: 1>} : vector<32x1536xi32>
    %jit3A = arith.constant 8 : i32
    %eq3A_24 = arith.constant 0 : i32
    %eq3A_25 = arith.cmpi eq, %jit3A, %eq3A_24 : i32
    %jit3A_26 = arith.constant 1 : i32
    %select_n3A = arith.select %eq3A_25, %jit3A_26, %jit3A : i32
    %rem3A = vector.broadcast %select_n3A : i32 to vector<32x1536xi32>
    %rem3A_27 = arith.remsi %iota3A, %rem3A : vector<32x1536xi32>
    %ne3A = arith.constant 0 : i32
    %ne3A_28 = vector.broadcast %ne3A : i32 to vector<32x1536xi32>
    %ne3A_29 = arith.cmpi ne, %rem3A_27, %ne3A_28 : vector<32x1536xi32>
    %lt3A = arith.constant 0 : i32
    %lt3A_30 = vector.broadcast %lt3A : i32 to vector<32x1536xi32>
    %lt3A_31 = arith.cmpi slt, %rem3A_27, %lt3A_30 : vector<32x1536xi32>
    %lt3A_32 = arith.constant 0 : i32
    %lt3A_33 = arith.cmpi slt, %select_n3A, %lt3A_32 : i32
    %ne3A_34 = vector.broadcast %lt3A_33 : i1 to vector<32x1536xi1>
    %ne3A_35 = vector.broadcast %ne3A_34 : vector<32x1536xi1> to vector<32x1536xi1>
    %ne3A_36 = arith.xori %lt3A_31, %ne3A_35 : vector<32x1536xi1>
    %and3A = arith.andi %ne3A_36, %ne3A_29 : vector<32x1536xi1>
    %add3A_37 = vector.broadcast %select_n3A : i32 to vector<32x1536xi32>
    %add3A_38 = arith.addi %rem3A_27, %add3A_37 : vector<32x1536xi32>
    %select_n3A_39 = arith.select %and3A, %add3A_38, %rem3A_27 : vector<32x1536xi1>, vector<32x1536xi32>
    %broadcast_in_dim3A = arith.constant 0.000000e+00 : f32
    %broadcast_in_dim3A_40 = vector.broadcast %broadcast_in_dim3A : f32 to vector<32x1536xf32>
    %eq3A_41 = arith.constant 0 : i32
    %eq3A_42 = vector.broadcast %eq3A_41 : i32 to vector<32x1536xi32>
    %eq3A_43 = arith.cmpi eq, %select_n3A_39, %eq3A_42 : vector<32x1536xi32>
    %slice3A = vector.extract_strided_slice %get3A_23 {offsets = [0, 0], sizes = [32, 1], strides = [1, 1]} : vector<32x8xf32> to vector<32x1xf32>
    %jit3A_44 = arith.constant 0.000000e+00 : f32
    %broadcast_in_dim3A_45 = vector.shape_cast %slice3A : vector<32x1xf32> to vector<32x1xf32>
    %broadcast_in_dim3A_46 = vector.broadcast %broadcast_in_dim3A_45 : vector<32x1xf32> to vector<32x1536xf32>
    %broadcast_in_dim3A_47 = vector.broadcast %jit3A_44 : f32 to vector<32x1536xf32>
    %select_n3A_48 = arith.select %eq3A_43, %broadcast_in_dim3A_46, %broadcast_in_dim3A_47 : vector<32x1536xi1>, vector<32x1536xf32>
    %add3A_49 = arith.addf %broadcast_in_dim3A_40, %select_n3A_48 : vector<32x1536xf32>
    %eq3A_50 = arith.constant 1 : i32
    %eq3A_51 = vector.broadcast %eq3A_50 : i32 to vector<32x1536xi32>
    %eq3A_52 = arith.cmpi eq, %select_n3A_39, %eq3A_51 : vector<32x1536xi32>
    %slice3A_53 = vector.extract_strided_slice %get3A_23 {offsets = [0, 1], sizes = [32, 1], strides = [1, 1]} : vector<32x8xf32> to vector<32x1xf32>
    %jit3A_54 = arith.constant 0.000000e+00 : f32
    %broadcast_in_dim3A_55 = vector.shape_cast %slice3A_53 : vector<32x1xf32> to vector<32x1xf32>
    %broadcast_in_dim3A_56 = vector.broadcast %broadcast_in_dim3A_55 : vector<32x1xf32> to vector<32x1536xf32>
    %broadcast_in_dim3A_57 = vector.broadcast %jit3A_54 : f32 to vector<32x1536xf32>
    %select_n3A_58 = arith.select %eq3A_52, %broadcast_in_dim3A_56, %broadcast_in_dim3A_57 : vector<32x1536xi1>, vector<32x1536xf32>
    %add3A_59 = arith.addf %add3A_49, %select_n3A_58 : vector<32x1536xf32>
    %eq3A_60 = arith.constant 2 : i32
    %eq3A_61 = vector.broadcast %eq3A_60 : i32 to vector<32x1536xi32>
    %eq3A_62 = arith.cmpi eq, %select_n3A_39, %eq3A_61 : vector<32x1536xi32>
    %slice3A_63 = vector.extract_strided_slice %get3A_23 {offsets = [0, 2], sizes = [32, 1], strides = [1, 1]} : vector<32x8xf32> to vector<32x1xf32>
    %jit3A_64 = arith.constant 0.000000e+00 : f32
    %broadcast_in_dim3A_65 = vector.shape_cast %slice3A_63 : vector<32x1xf32> to vector<32x1xf32>
    %broadcast_in_dim3A_66 = vector.broadcast %broadcast_in_dim3A_65 : vector<32x1xf32> to vector<32x1536xf32>
    %broadcast_in_dim3A_67 = vector.broadcast %jit3A_64 : f32 to vector<32x1536xf32>
    %select_n3A_68 = arith.select %eq3A_62, %broadcast_in_dim3A_66, %broadcast_in_dim3A_67 : vector<32x1536xi1>, vector<32x1536xf32>
    %add3A_69 = arith.addf %add3A_59, %select_n3A_68 : vector<32x1536xf32>
    %eq3A_70 = arith.constant 3 : i32
    %eq3A_71 = vector.broadcast %eq3A_70 : i32 to vector<32x1536xi32>
    %eq3A_72 = arith.cmpi eq, %select_n3A_39, %eq3A_71 : vector<32x1536xi32>
    %slice3A_73 = vector.extract_strided_slice %get3A_23 {offsets = [0, 3], sizes = [32, 1], strides = [1, 1]} : vector<32x8xf32> to vector<32x1xf32>
    %jit3A_74 = arith.constant 0.000000e+00 : f32
    %broadcast_in_dim3A_75 = vector.shape_cast %slice3A_73 : vector<32x1xf32> to vector<32x1xf32>
    %broadcast_in_dim3A_76 = vector.broadcast %broadcast_in_dim3A_75 : vector<32x1xf32> to vector<32x1536xf32>
    %broadcast_in_dim3A_77 = vector.broadcast %jit3A_74 : f32 to vector<32x1536xf32>
    %select_n3A_78 = arith.select %eq3A_72, %broadcast_in_dim3A_76, %broadcast_in_dim3A_77 : vector<32x1536xi1>, vector<32x1536xf32>
    %add3A_79 = arith.addf %add3A_69, %select_n3A_78 : vector<32x1536xf32>
    %eq3A_80 = arith.constant 4 : i32
    %eq3A_81 = vector.broadcast %eq3A_80 : i32 to vector<32x1536xi32>
    %eq3A_82 = arith.cmpi eq, %select_n3A_39, %eq3A_81 : vector<32x1536xi32>
    %slice3A_83 = vector.extract_strided_slice %get3A_23 {offsets = [0, 4], sizes = [32, 1], strides = [1, 1]} : vector<32x8xf32> to vector<32x1xf32>
    %jit3A_84 = arith.constant 0.000000e+00 : f32
    %broadcast_in_dim3A_85 = vector.shape_cast %slice3A_83 : vector<32x1xf32> to vector<32x1xf32>
    %broadcast_in_dim3A_86 = vector.broadcast %broadcast_in_dim3A_85 : vector<32x1xf32> to vector<32x1536xf32>
    %broadcast_in_dim3A_87 = vector.broadcast %jit3A_84 : f32 to vector<32x1536xf32>
    %select_n3A_88 = arith.select %eq3A_82, %broadcast_in_dim3A_86, %broadcast_in_dim3A_87 : vector<32x1536xi1>, vector<32x1536xf32>
    %add3A_89 = arith.addf %add3A_79, %select_n3A_88 : vector<32x1536xf32>
    %eq3A_90 = arith.constant 5 : i32
    %eq3A_91 = vector.broadcast %eq3A_90 : i32 to vector<32x1536xi32>
    %eq3A_92 = arith.cmpi eq, %select_n3A_39, %eq3A_91 : vector<32x1536xi32>
    %slice3A_93 = vector.extract_strided_slice %get3A_23 {offsets = [0, 5], sizes = [32, 1], strides = [1, 1]} : vector<32x8xf32> to vector<32x1xf32>
    %jit3A_94 = arith.constant 0.000000e+00 : f32
    %broadcast_in_dim3A_95 = vector.shape_cast %slice3A_93 : vector<32x1xf32> to vector<32x1xf32>
    %broadcast_in_dim3A_96 = vector.broadcast %broadcast_in_dim3A_95 : vector<32x1xf32> to vector<32x1536xf32>
    %broadcast_in_dim3A_97 = vector.broadcast %jit3A_94 : f32 to vector<32x1536xf32>
    %select_n3A_98 = arith.select %eq3A_92, %broadcast_in_dim3A_96, %broadcast_in_dim3A_97 : vector<32x1536xi1>, vector<32x1536xf32>
    %add3A_99 = arith.addf %add3A_89, %select_n3A_98 : vector<32x1536xf32>
    %eq3A_100 = arith.constant 6 : i32
    %eq3A_101 = vector.broadcast %eq3A_100 : i32 to vector<32x1536xi32>
    %eq3A_102 = arith.cmpi eq, %select_n3A_39, %eq3A_101 : vector<32x1536xi32>
    %slice3A_103 = vector.extract_strided_slice %get3A_23 {offsets = [0, 6], sizes = [32, 1], strides = [1, 1]} : vector<32x8xf32> to vector<32x1xf32>
    %jit3A_104 = arith.constant 0.000000e+00 : f32
    %broadcast_in_dim3A_105 = vector.shape_cast %slice3A_103 : vector<32x1xf32> to vector<32x1xf32>
    %broadcast_in_dim3A_106 = vector.broadcast %broadcast_in_dim3A_105 : vector<32x1xf32> to vector<32x1536xf32>
    %broadcast_in_dim3A_107 = vector.broadcast %jit3A_104 : f32 to vector<32x1536xf32>
    %select_n3A_108 = arith.select %eq3A_102, %broadcast_in_dim3A_106, %broadcast_in_dim3A_107 : vector<32x1536xi1>, vector<32x1536xf32>
    %add3A_109 = arith.addf %add3A_99, %select_n3A_108 : vector<32x1536xf32>
    %eq3A_110 = arith.constant 7 : i32
    %eq3A_111 = vector.broadcast %eq3A_110 : i32 to vector<32x1536xi32>
    %eq3A_112 = arith.cmpi eq, %select_n3A_39, %eq3A_111 : vector<32x1536xi32>
    %slice3A_113 = vector.extract_strided_slice %get3A_23 {offsets = [0, 7], sizes = [32, 1], strides = [1, 1]} : vector<32x8xf32> to vector<32x1xf32>
    %jit3A_114 = arith.constant 0.000000e+00 : f32
    %broadcast_in_dim3A_115 = vector.shape_cast %slice3A_113 : vector<32x1xf32> to vector<32x1xf32>
    %broadcast_in_dim3A_116 = vector.broadcast %broadcast_in_dim3A_115 : vector<32x1xf32> to vector<32x1536xf32>
    %broadcast_in_dim3A_117 = vector.broadcast %jit3A_114 : f32 to vector<32x1536xf32>
    %select_n3A_118 = arith.select %eq3A_112, %broadcast_in_dim3A_116, %broadcast_in_dim3A_117 : vector<32x1536xi1>, vector<32x1536xf32>
    %add3A_119 = arith.addf %add3A_109, %select_n3A_118 : vector<32x1536xf32>
    %mul3A_120 = arith.mulf %mul3A_20, %add3A_119 : vector<32x1536xf32>
    %get3A_121 = arith.constant 0 : index
    %get3A_122 = arith.constant 0 : index
    %get3A_123 = vector.load %arg6[%get3A_121, %get3A_122] : memref<32x768xf32, #tpu.memory_space<vmem>>, vector<32x768xf32>
    %get3A_124 = arith.constant 0 : index
    %get3A_125 = arith.constant 0 : index
    %get3A_126 = vector.load %arg5[%get3A_124, %get3A_125] : memref<1536x768xf32, #tpu.memory_space<vmem>>, vector<1536x768xf32>
    %dot_general3A_127 = arith.constant dense<0.000000e+00> : vector<32x768xf32>
    %dot_general3A_128 = tpu.matmul %mul3A_120, %get3A_126, %dot_general3A_127 {dimension_numbers = #tpu.dot_dimension_numbers<[1], [0], [0], [1], [0, 0, 1, 1], [], []>, transpose_lhs_hint = false} : vector<32x1536xf32>, vector<1536x768xf32>, vector<32x768xf32> -> vector<32x768xf32>
    %add3A_129 = arith.addf %get3A_123, %dot_general3A_128 : vector<32x768xf32>
    %swap3A = arith.constant 0 : index
    %swap3A_130 = arith.constant 0 : index
    %swap3A_131 = vector.load %arg6[%swap3A, %swap3A_130] : memref<32x768xf32, #tpu.memory_space<vmem>>, vector<32x768xf32>
    tpu.vector_store %arg6[%swap3A, %swap3A_130], %add3A_129 {strides = array<i32>} : memref<32x768xf32, #tpu.memory_space<vmem>>, vector<32x768xf32>,
    return
  }
  func.func @transform_0(%arg0: i32) -> (i32, i32) {
    %c0_i32 = arith.constant 0 : i32
    %c0_i32_0 = arith.constant 0 : i32
    %c0_i32_1 = arith.constant 0 : i32
    return %c0_i32, %c0_i32_0 : i32, i32
  }
  func.func @transform_1(%arg0: i32) -> (i32, i32) {
    %c0_i32 = arith.constant 0 : i32
    %c0_i32_0 = arith.constant 0 : i32
    %c0_i32_1 = arith.constant 0 : i32
    return %c0_i32, %c0_i32_0 : i32, i32
  }
  func.func @transform_2(%arg0: i32) -> (i32, i32) {
    %c0_i32 = arith.constant 0 : i32
    %c0_i32_0 = arith.constant 0 : i32
    %c0_i32_1 = arith.constant 0 : i32
    return %c0_i32, %c0_i32_0 : i32, i32
  }
  func.func @transform_3(%arg0: i32) -> (i32, i32) {
    %c0_i32 = arith.constant 0 : i32
    %c0_i32_0 = arith.constant 0 : i32
    return %c0_i32, %arg0 : i32, i32
  }
  func.func @transform_4(%arg0: i32) -> (i32, i32) {
    %c0_i32 = arith.constant 0 : i32
    %c0_i32_0 = arith.constant 0 : i32
    return %arg0, %c0_i32 : i32, i32
  }
  func.func @transform_5(%arg0: i32) -> (i32, i32) {
    %c0_i32 = arith.constant 0 : i32
    %c0_i32_0 = arith.constant 0 : i32
    %c0_i32_1 = arith.constant 0 : i32
    return %c0_i32, %c0_i32_0 : i32, i32
  }
}

</mosaic_0001>

<sc_bundles>
// kernel: sparse-core-data-format-call.cloned.1.call-start
scs
called_computation_lowered:
.L_overlay_start_0:
0x0: {  	s1 =	sld [smem:$0x3FD9]  }
0x1: {  	s2 =	sld [smem:$0x3FFE];
	_ =	sdelay $0x1  }
0x2: {  	s3 =	srdreg.scid  }
0x3: {  	s0 =	sand.u32 $0x1, s3  }
0x4: {  	s17 =	sshll.u32 s0, $0xA;
	s1 =	sadd.s32 s2, s1  }
0x5: {  	s1 =	sadd.s32 s1, s17  }
0x6: {  	[smem:$0x3FC3] =	sst s1  }
0x7: {  	_ = 	snop  }
0x8: {  	(tm) =	ssettm $0x1  }
0x9: {  	s18 =	sld [smem:$0x3FFB];
	_ =	sdelay $0x3  }
0xa: {  	_ =	strace s18  }
0xb: {  	s1 =	sld [smem:$0x3FFC];
	_ =	sdelay $0x3  }
0xc: {  	_ =	strace s1  }
0xd: {  	s1 =	sld [smem:$0x3FFD];
	_ =	sdelay $0x3  }
0xe: {  	_ =	strace s1  }
0xf: {  	_ =	strace $0x8FFFFFFF  }
0x10: {  	s19 =	sld [smem:$0x3FDB];
	_ =	sdelay $0x1  }
0x11: {  	s20 =	simm.s32 $_scs_section_size  }
0x12: {  	s4 =	simm.s32 $_size__tile_overlayer_lowered;
	s5 =	simm.s32 $_tile_overlayer_lowered  }
0x13: {  	s23 =	simm.s32 $0x1BFF;
	s22 =	sshll.u32 s5, $0x1;
	s1 =	sadd.s32 s20, s19  }
0x14: {  	s6 =	simm.s32 $0x0;
	s21 =	sshll.u32 s4, $0x1;
	s4 =	sadd.s32 s22, s1  }
0x15: {  	[timem:s6], [sflag:s23] =	dma.local [hbm:s4], s21  }
0x16: {  	_ =	swait.ge [sflag:s23], s21  }
0x17: {  	s2 =	ssub.s32 $0x0, s21;
	[sflag:s23] =	ssyncset.done $0x0  }
0x18: {  	[sflag:s23] =	ssyncadd.s32 s2;
	_ =	sdelay $0x1  }
0x19: {  	s24 =	simm.s32 $0x1B8B  }
0x1a: {  	_ =	swait.ge [sflag:s24], $0x1  }
0x1b: {  	[sflag:s24] =	ssyncset.done $0x0  }
0x1c: {  	s26 =	simm.s32 $0x1B8E;
	s25 =	sld [smem:$0x3FFE];
	[sflag:s24] =	ssyncadd.s32 $0xFFFFFFFF  }
0x1d: {  	s27 =	simm.s32 $execute0_lowered;
	[smem:$0x3FD2] =	sst s26  }
0x1e: {  	s4 =	sshll.u32 s27, $0x1;
	_ =	strace $0x80000046;
	[dreg:$0x1] =	wrdreg $0xFFFFFFFF  }
0x1f: {  	s28 =	simm.s32 $_size_execute0_lowered;
	s1 =	sadd.s32 s1, s4;
	[dreg:$0x0] =	wrdreg $0x0  }
0x20: {  	s4 =	sshll.u32 s28, $0x1;
	[dreg:$0x2] =	wrdreg s1  }
0x21: {  	[dreg:$0x3] =	wrdreg s4  }
0x22: {  	[dreg:$0x4] =	wrdreg $0xC0  }
0x23: {  	_ =	task [dreg:s6], $0x5FFFF  }
0x24: {  	[dreg:$0x1] =	wrdreg $0xFFFFFFFF  }
0x25: {  	[dreg:$0x0] =	wrdreg $0x60  }
0x26: {  	[dreg:$0x2] =	wrdreg s25  }
0x27: {  	[dreg:$0x3] =	wrdreg $0x9  }
0x28: {  	_ =	task.clear_ibuf [dreg:s6], $0x4FFFF;
	_ =	strace $0x90000046  }
0x29: {  	s29 =	simm.s32 $0x9;
	_ =	strace $0x80000048  }
0x2a: {  	_ =	swait.ge [sflag:s29], $0x1  }
0x2b: {  	[sflag:s29] =	ssyncadd.s32 $0xFFFFFFFF  }
0x2c: {  	_ =	strace $0x90000048  }
0x2d: {  	_ =	sfence  }
0x2e: {  	s30 =	sld [smem:$0x0];
	_ =	sdelay $0x2  }
0x2f: {  	s31 =	sshll.u32 s3, $0xD;
	s3 =	sshrl.u32 s3, $0x2  }
0x30: {  	s2 =	sand.u32 $0x4000, s31;
	s1 =	sadd.s32 s3, s30  }
0x31: {  	s0 =	sor.u32 s2, s0;
	s1 =	sshll.u32 s1, $0x11  }
0x32: {  	s0 =	sor.u32 s1, s0  }
0x33: {  	s0 =	sadd.s32 $0x8F2B, s0  }
0x34: {  	[sflag:s0] =	ssyncadd.remote.s32 $0x1  }
0x35: {  	_ =	sfence.sel $0xFFFF  }
0x36: {  	[dreg:$0x0] =	wrdreg $0xFFFFFFFF;
	(pc) =	sbr.abs _section_cstart, $3  }
0x37: {  	[dreg:$0x1] =	wrdreg $0xFFFFFFFF  }
0x38: {  	_ =	task.clear_ibuf [dreg:s6], $0x2FFFF;
	_ =	strace $0x9FFFFFFF  }
0x39: {  	(tm) =	ssettm $0x7FFFFFFF  }
tec
execute0_lowered:
.L_overlay_start_1:
0x0: {  	(tag) =	ssettag $0x1  }
0x1: {  	s15 =	rddreg [dreg:$0x0]  }
0x2: {  	s0 =	srdreg.scid;
	s4 =	sadd.s32 $0xA00, s15  }
0x3: {  	_ =	strace $0x80000047;
	s16 =	sadd.s32 $0x1200A00, s15;
	[dreg:$0x2] =	wrdreg s4  }
0x4: {  	s1 =	stileid.u32;
	s17 =	sadd.s32 $0x3A00, s15;
	[dreg:$0x3] =	wrdreg s16  }
0x5: {  	s5 =	simm.s32 $0x2;
	s18 =	sadd.s32 $0x6A00, s15;
	[dreg:$0x4] =	wrdreg s17  }
0x6: {  	s30 =	simm.s32 $0x0;
	s19 =	sadd.s32 $0x9A00, s15;
	[dreg:$0x5] =	wrdreg s18  }
0x7: {  	s29 =	simm.s32 $0x0;
	s20 =	sadd.s32 $0xCA00, s15;
	[dreg:$0x6] =	wrdreg s19  }
0x8: {  	s28 =	simm.s32 $0x0;
	s21 =	sadd.s32 $0xFA00, s15;
	[dreg:$0x7] =	wrdreg s20  }
0x9: {  	s0 =	sshll.u32 s0, $0x4;
	s22 =	sadd.s32 $0x12A00, s15;
	[dreg:$0x8] =	wrdreg s21  }
0xa: {  	s23 =	sadd.s32 $0x15A00, s15;
	s24 =	sadd.s32 $0x18A00, s15;
	[dreg:$0x9] =	wrdreg s22  }
0xb: {  	s25 =	sadd.s32 $0x1BA00, s15;
	s0 =	sand.u32 $0x10, s0;
	[dreg:$0xa] =	wrdreg s23  }
0xc: {  	s26 =	sadd.s32 $0x1EA00, s15;
	[dreg:$0xb] =	wrdreg s24;
	s0 =	sor.u32 s1, s0  }
0xd: {  	s31 =	sadd.s32 $0x21A00, s15;
	[dreg:$0xc] =	wrdreg s25;
	s2 =	sshll.u32 s0, $0x4  }
0xe: {  	s4 =	simm.s32 $0x1;
	[dreg:$0xd] =	wrdreg s26;
	s0 =	ssub.s32 $0x600, s2  }
0xf: {  	[dreg:$0xe] =	wrdreg s31;
	s18 =	sadd.s32 $0x24A00, s15;
	s3 =	sand.u32 $0x1F0, s0  }
0x10: {  	s19 =	sadd.s32 $0x27A00, s15;
	p0 =	sne.s32 s3, $0x0;
	s3 =	simm.s32 $0x1  }
.Ltmp0:
0x11: {  	s0 =	sshrl.u32 s0, $0x9;
	s3 =	simm.s32 @!p0 $0x0;
	(pc) =	sbr.rel .LBB1_1-.Ltmp0, $4  }
0x12: {  	s20 =	sadd.s32 $0x2AA00, s15;
	s21 =	sadd.s32 $0x2DA00, s15;
	s0 =	sadd.s32 s3, s0  }
0x13: {  	s23 =	simm.s32 $0x8;
	[sflag:s4] =	ssyncpa.u1 $0x0;
	s6 =	smul.u32 $0x6, s0  }
0x14: {  	s24 =	simm.s32 $0x80;
	s26 =	simm.s32 $0x0;
	[sflag:s5] =	ssyncpa.u1 $0x0  }
0x15: {  	s27 =	smov.u32 s2;
	p0 =	por $0x0, $0x0;
	s22 =	sor.u32 $0x1, s6  }
.LBB1_9:
0x16: {  	s0 =	sadd.s32 $0x80, s26  }
0x17: {  	s3 =	sadd.s32 $0x200, s27;
	s5 =	smov.u32 s27;
	p2 =	sgt.s32 s0, $0x2FF  }
0x18: {  	s5 =	smov.u32 @p2 s3  }
0x19: {  	s0 =	simm.s32 @p2 $0x0;
	p2 =	sgt.s32 s5, $0x5FF  }
0x1a: {  	s5 =	smov.u32 @p2 s2;
	p2 =	sne.s32 s28, s22  }
.Ltmp1:
0x1b: {  	p1 =	slt.u32 s28, $0x2;
	(pc) =	sbr.rel @!p2 .LBB1_10-.Ltmp1, $4  }
0x1c: {  	s1 =	simm.s32 @!p1 $0x2  }
0x1d: {  	s30 =	smov.u32 s26;
	s29 =	smov.u32 s27;
	_ =	swait.ge @!p1 [sflag:s1], $0x4000  }
0x1e: {  	p0 =	por !p0, !p0;
	[sflag:s1] =	ssyncset.done @!p1 $0x0;
	s26 =	smov.u32 s0  }
0x1f: {  	s28 =	sadd.s32 $0x1, s28;
	[sflag:s1] =	ssyncadd.s32 @!p1 $0xFFFFC000;
	s27 =	smov.u32 s5  }
.LBB1_1:
0x20: {  	p1 =	sge.u32 s28, s6  }
.Ltmp2:
0x21: {  	_ = 	snop;
	(pc) =	sbr.rel @p1 .LBB1_3-.Ltmp2, $1  }
0x22: {  	_ =	sdelay $0x3  }
0x23: {  	s1 =	sand.u32 $0x1FFFFFF, s26  }
0x24: {  	s0 =	smulhi.u32 $0xAAAAAB, s1;
	_ =	sdelay $0x1  }
0x25: {  	s0 =	sshrl.u32 s0, $0x1  }
0x26: {  	s3 =	smul.u32 $0x300, s0  }
0x27: {  	s0 =	smul.u32 $0x3000, s27  }
0x28: {  	s5 =	sxor.u32 $0xFFFFFFFF, s28;
	s16 =	rddreg [dreg:$0x2];
	s1 =	ssub.s32 s1, s3  }
0x29: {  	s15 =	sshll.u32 s5, $0xE;
	s5 =	sadd.s32 s16, s0;
	s1 =	sshll.u32 s1, $0x4  }
0x2a: {  	s17 =	rddreg [dreg:$0x4];
	s3 =	sand.u32 $0x4000, s15;
	s5 =	sadd.s32 s1, s5  }
0x2b: {  	[tilespmem:s3], [sflag:$0x1] =	stream.strided.gather [hbm4b:s5+s23], $0x400, s24, s23, $0x38;
	[tilespmem:$0x10100] =	vst v63  }
0x2c: {  	s5 =	sadd.s32 s0, s17  }
0x2d: {  	s25 =	rddreg [dreg:$0x5];
	s7 =	sor.u32 $0x400, s3;
	s5 =	sadd.s32 s1, s5  }
0x2e: {  	[tilespmem:s7], [sflag:$0x1] =	stream.strided.gather [hbm4b:s5+s23], $0x400, s24, s23, $0x38;
	[tilespmem:$0x10100] =	vst v63  }
0x2f: {  	s5 =	sadd.s32 s0, s25  }
0x30: {  	s8 =	rddreg [dreg:$0x6];
	s31 =	sor.u32 $0x800, s3;
	s5 =	sadd.s32 s1, s5  }
0x31: {  	[tilespmem:s31], [sflag:$0x1] =	stream.strided.gather [hbm4b:s5+s23], $0x400, s24, s23, $0x38;
	[tilespmem:$0x10100] =	vst v63  }
0x32: {  	s5 =	sadd.s32 s0, s8  }
0x33: {  	s10 =	rddreg [dreg:$0x7];
	s9 =	sor.u32 $0xC00, s3;
	s5 =	sadd.s32 s1, s5  }
0x34: {  	[tilespmem:s9], [sflag:$0x1] =	stream.strided.gather [hbm4b:s5+s23], $0x400, s24, s23, $0x38;
	[tilespmem:$0x10100] =	vst v63  }
0x35: {  	s5 =	sadd.s32 s0, s10  }
0x36: {  	s12 =	rddreg [dreg:$0x8];
	s11 =	sor.u32 $0x1000, s3;
	s5 =	sadd.s32 s1, s5  }
0x37: {  	[tilespmem:s11], [sflag:$0x1] =	stream.strided.gather [hbm4b:s5+s23], $0x400, s24, s23, $0x38;
	[tilespmem:$0x10100] =	vst v63  }
0x38: {  	s5 =	sadd.s32 s0, s12  }
0x39: {  	s14 =	rddreg [dreg:$0x9];
	s13 =	sor.u32 $0x1400, s3;
	s5 =	sadd.s32 s1, s5  }
0x3a: {  	[tilespmem:s13], [sflag:$0x1] =	stream.strided.gather [hbm4b:s5+s23], $0x400, s24, s23, $0x38;
	[tilespmem:$0x10100] =	vst v63  }
0x3b: {  	s5 =	sadd.s32 s0, s14  }
0x3c: {  	s16 =	rddreg [dreg:$0xa];
	s15 =	sor.u32 $0x1800, s3;
	s5 =	sadd.s32 s1, s5  }
0x3d: {  	[tilespmem:s15], [sflag:$0x1] =	stream.strided.gather [hbm4b:s5+s23], $0x400, s24, s23, $0x38;
	[tilespmem:$0x10100] =	vst v63  }
0x3e: {  	s5 =	sadd.s32 s0, s16  }
0x3f: {  	s17 =	sor.u32 $0x1C00, s3;
	s25 =	rddreg [dreg:$0xb];
	s5 =	sadd.s32 s1, s5  }
0x40: {  	[tilespmem:s17], [sflag:$0x1] =	stream.strided.gather [hbm4b:s5+s23], $0x400, s24, s23, $0x38;
	[tilespmem:$0x10100] =	vst v63  }
0x41: {  	s5 =	sadd.s32 s0, s25  }
0x42: {  	s7 =	rddreg [dreg:$0xc];
	s31 =	sor.u32 $0x2000, s3;
	s5 =	sadd.s32 s1, s5  }
0x43: {  	[tilespmem:s31], [sflag:$0x1] =	stream.strided.gather [hbm4b:s5+s23], $0x400, s24, s23, $0x38;
	[tilespmem:$0x10100] =	vst v63  }
0x44: {  	s5 =	sadd.s32 s0, s7  }
0x45: {  	s8 =	sor.u32 $0x2400, s3;
	s9 =	rddreg [dreg:$0xd];
	s5 =	sadd.s32 s1, s5  }
0x46: {  	[tilespmem:s8], [sflag:$0x1] =	stream.strided.gather [hbm4b:s5+s23], $0x400, s24, s23, $0x38;
	[tilespmem:$0x10100] =	vst v63  }
0x47: {  	s5 =	sadd.s32 s0, s9  }
0x48: {  	s10 =	sor.u32 $0x2800, s3;
	s11 =	rddreg [dreg:$0xe];
	s5 =	sadd.s32 s1, s5  }
0x49: {  	[tilespmem:s10], [sflag:$0x1] =	stream.strided.gather [hbm4b:s5+s23], $0x400, s24, s23, $0x38;
	[tilespmem:$0x10100] =	vst v63  }
0x4a: {  	s5 =	sadd.s32 s0, s11  }
0x4b: {  	s12 =	sor.u32 $0x2C00, s3;
	s13 =	sadd.s32 s0, s18;
	s5 =	sadd.s32 s1, s5  }
0x4c: {  	[tilespmem:s12], [sflag:$0x1] =	stream.strided.gather [hbm4b:s5+s23], $0x400, s24, s23, $0x38;
	[tilespmem:$0x10100] =	vst v63  }
0x4d: {  	s14 =	sor.u32 $0x3000, s3;
	s15 =	sadd.s32 s0, s19;
	s5 =	sadd.s32 s1, s13  }
0x4e: {  	[tilespmem:s14], [sflag:$0x1] =	stream.strided.gather [hbm4b:s5+s23], $0x400, s24, s23, $0x38;
	[tilespmem:$0x10100] =	vst v63  }
0x4f: {  	s16 =	sor.u32 $0x3400, s3;
	s17 =	sadd.s32 s0, s20;
	s5 =	sadd.s32 s1, s15  }
0x50: {  	[tilespmem:s16], [sflag:$0x1] =	stream.strided.gather [hbm4b:s5+s23], $0x400, s24, s23, $0x38;
	[tilespmem:$0x10100] =	vst v63  }
0x51: {  	s25 =	sor.u32 $0x3800, s3;
	s0 =	sadd.s32 s0, s21;
	s5 =	sadd.s32 s1, s17  }
0x52: {  	[tilespmem:s25], [sflag:$0x1] =	stream.strided.gather [hbm4b:s5+s23], $0x400, s24, s23, $0x38;
	[tilespmem:$0x10100] =	vst v63  }
0x53: {  	s31 =	sor.u32 $0x3C00, s3;
	s0 =	sadd.s32 s1, s0  }
0x54: {  	[tilespmem:s31], [sflag:$0x1] =	stream.strided.gather [hbm4b:s0+s23], $0x400, s24, s23, $0x38;
	[tilespmem:$0x10100] =	vst v63  }
.LBB1_3:
0x55: {  	s0 =	sadd.s32 $0xFFFFFFFF, s28  }
0x56: {  	p1 =	sge.u32 s0, s6  }
.Ltmp3:
0x57: {  	_ = 	snop;
	(pc) =	sbr.rel @p1 .LBB1_9-.Ltmp3, $1  }
0x58: {  	_ =	sdelay $0x3  }
0x59: {  	s0 =	simm.s32 $0x1;
	s3 =	sand.u32 $0x1, s28  }
0x5a: {  	_ =	swait.ge [sflag:s4], $0x4000;
	s0 =	simm.s32 @!p0 $0x0;
	s3 =	smul.u32 $0x10200, s3  }
0x5b: {  	[sflag:s4] =	ssyncset.done $0x0;
	s1 =	smul.u32 $0x10200, s0  }
0x5c: {  	s0 =	sshll.u32 s0, $0xE;
	[sflag:s4] =	ssyncadd.s32 $0xFFFFC000  }
0x5d: {  	s0 =	sor.u32 $0x20, s0;
	s25 =	sshrl.u32 s3, $0x2;
	s1 =	sshrl.u32 s1, $0x2  }
0x5e: {  	s31 =	sor.u32 $0x8000, s25;
	s25 =	simm.s32 $0x0;
	s15 =	sor.u32 $0x8007, s1  }
.LBB1_5:
0x5f: {  	v0 =	vld.msk [tilespmem:s0+$0xFFFFFFE0], $0xff;
	_ =	sdelay $0x4  }
0x60: {  	[tilespmem:s15+$0xFFFFFFF9 ss:$0x81] =	vst.msk $0xff, v0  }
0x61: {  	v0 =	vld.msk [tilespmem:s0+$0xFFFFFFE8], $0xff  }
0x62: {  	s5 =	sadd.s32 $0x40, s0  }
0x63: {  	v1 =	vld.msk [tilespmem:s5+$0xFFFFFFE0], $0xff;
	_ =	sdelay $0x2  }
0x64: {  	[tilespmem:s15+$0xFFFFFFFA ss:$0x81] =	vst.msk $0xff, v0  }
0x65: {  	s3 =	sadd.s32 $0x8, s15;
	v0 =	vld.msk [tilespmem:s0+$0xFFFFFFF0], $0xff  }
0x66: {  	[tilespmem:s3+$0xFFFFFFF9 ss:$0x81] =	vst.msk $0xff, v1  }
0x67: {  	v1 =	vld.msk [tilespmem:s5+$0xFFFFFFE8], $0xff  }
0x68: {  	s8 =	sadd.s32 $0x40, s5  }
0x69: {  	v2 =	vld.msk [tilespmem:s8+$0xFFFFFFE0], $0xff  }
0x6a: {  	[tilespmem:s15+$0xFFFFFFFB ss:$0x81] =	vst.msk $0xff, v0  }
0x6b: {  	v0 =	vld.msk [tilespmem:s0+$0xFFFFFFF8], $0xff  }
0x6c: {  	[tilespmem:s3+$0xFFFFFFFA ss:$0x81] =	vst.msk $0xff, v1  }
0x6d: {  	s7 =	sadd.s32 $0x8, s3;
	v1 =	vld.msk [tilespmem:s5+$0xFFFFFFF0], $0xff  }
0x6e: {  	[tilespmem:s7+$0xFFFFFFF9 ss:$0x81] =	vst.msk $0xff, v2  }
0x6f: {  	s10 =	sadd.s32 $0x40, s8;
	v2 =	vld.msk [tilespmem:s8+$0xFFFFFFE8], $0xff  }
0x70: {  	[tilespmem:s15+$0xFFFFFFFC ss:$0x81] =	vst.msk $0xff, v0;
	v0 =	vld.msk [tilespmem:s10+$0xFFFFFFE0], $0xff  }
0x71: {  	v3 =	vld.msk [tilespmem:s0+$0x0], $0xff  }
0x72: {  	[tilespmem:s3+$0xFFFFFFFB ss:$0x81] =	vst.msk $0xff, v1  }
0x73: {  	v1 =	vld.msk [tilespmem:s5+$0xFFFFFFF8], $0xff  }
0x74: {  	s9 =	sadd.s32 $0x8, s7;
	[tilespmem:s7+$0xFFFFFFFA ss:$0x81] =	vst.msk $0xff, v2  }
0x75: {  	v2 =	vld.msk [tilespmem:s8+$0xFFFFFFF0], $0xff;
	[tilespmem:s9+$0xFFFFFFF9 ss:$0x81] =	vst.msk $0xff, v0  }
0x76: {  	v0 =	vld.msk [tilespmem:s10+$0xFFFFFFE8], $0xff;
	[tilespmem:s15+$0xFFFFFFFD ss:$0x81] =	vst.msk $0xff, v3  }
0x77: {  	s11 =	sadd.s32 $0x40, s10;
	v3 =	vld.msk [tilespmem:s0+$0x8], $0xff  }
0x78: {  	[tilespmem:s3+$0xFFFFFFFC ss:$0x81] =	vst.msk $0xff, v1;
	v1 =	vld.msk [tilespmem:s11+$0xFFFFFFE0], $0xff  }
0x79: {  	v4 =	vld.msk [tilespmem:s5+$0x0], $0xff  }
0x7a: {  	[tilespmem:s7+$0xFFFFFFFB ss:$0x81] =	vst.msk $0xff, v2  }
0x7b: {  	v2 =	vld.msk [tilespmem:s8+$0xFFFFFFF8], $0xff;
	[tilespmem:s9+$0xFFFFFFFA ss:$0x81] =	vst.msk $0xff, v0  }
0x7c: {  	s12 =	sadd.s32 $0x8, s9;
	v0 =	vld.msk [tilespmem:s10+$0xFFFFFFF0], $0xff;
	[tilespmem:s15+$0xFFFFFFFE ss:$0x81] =	vst.msk $0xff, v3  }
0x7d: {  	[tilespmem:s12+$0xFFFFFFF9 ss:$0x81] =	vst.msk $0xff, v1;
	v1 =	vld.msk [tilespmem:s0+$0x10], $0xff  }
0x7e: {  	[tilespmem:s3+$0xFFFFFFFD ss:$0x81] =	vst.msk $0xff, v4;
	v3 =	vld.msk [tilespmem:s11+$0xFFFFFFE8], $0xff  }
0x7f: {  	s13 =	sadd.s32 $0x40, s11;
	v4 =	vld.msk [tilespmem:s5+$0x8], $0xff  }
0x80: {  	[tilespmem:s7+$0xFFFFFFFC ss:$0x81] =	vst.msk $0xff, v2;
	v2 =	vld.msk [tilespmem:s13+$0xFFFFFFE0], $0xff  }
0x81: {  	v5 =	vld.msk [tilespmem:s8+$0x0], $0xff;
	[tilespmem:s9+$0xFFFFFFFB ss:$0x81] =	vst.msk $0xff, v0  }
0x82: {  	v6 =	vld.msk [tilespmem:s10+$0xFFFFFFF8], $0xff;
	[tilespmem:s15+$0xFFFFFFFF ss:$0x81] =	vst.msk $0xff, v1  }
0x83: {  	[tilespmem:s12+$0xFFFFFFFA ss:$0x81] =	vst.msk $0xff, v3;
	v0 =	vld.msk [tilespmem:s0+$0x18], $0xff  }
0x84: {  	s14 =	sadd.s32 $0x8, s12;
	[tilespmem:s3+$0xFFFFFFFE ss:$0x81] =	vst.msk $0xff, v4;
	v3 =	vld.msk [tilespmem:s11+$0xFFFFFFF0], $0xff  }
0x85: {  	[tilespmem:s14+$0xFFFFFFF9 ss:$0x81] =	vst.msk $0xff, v2;
	v1 =	vld.msk [tilespmem:s5+$0x10], $0xff  }
0x86: {  	[tilespmem:s7+$0xFFFFFFFD ss:$0x81] =	vst.msk $0xff, v5;
	v4 =	vld.msk [tilespmem:s13+$0xFFFFFFE8], $0xff  }
0x87: {  	s16 =	simm.s32 $0x28;
	s1 =	smov.u32 s15;
	s17 =	sadd.s32 $0x40, s13;
	v2 =	vld.msk [tilespmem:s8+$0x8], $0xff;
	[tilespmem:s9+$0xFFFFFFFC ss:$0x81] =	vst.msk $0xff, v6  }
.LBB1_6:
0x88: {  	v5 =	vld.msk [tilespmem:s17+$0xFFFFFFE0], $0xff;
	[tilespmem:s1+$0x0 ss:$0x81] =	vst.msk $0xff, v0;
	s1 =	smov.u32 s3;
	s3 =	smov.u32 s7;
	s7 =	smov.u32 s9  }
0x89: {  	s16 =	sadd.s32 $0x8, s16;
	s9 =	smov.u32 s12;
	[tilespmem:s12+$0xFFFFFFFB ss:$0x81] =	vst.msk $0xff, v3;
	v6 =	vld.msk [tilespmem:s10+$0x0], $0xff;
	s12 =	smov.u32 s14  }
0x8a: {  	p1 =	slt.u32 s16, $0x78;
	v7 =	vld.msk [tilespmem:s11+$0xFFFFFFF8], $0xff;
	[tilespmem:s1+$0xFFFFFFFF ss:$0x81] =	vst.msk $0xff, v1  }
.Ltmp4:
0x8b: {  	[tilespmem:s14+$0xFFFFFFFA ss:$0x81] =	vst.msk $0xff, v4;
	v0 =	vld.msk [tilespmem:s5+$0x18], $0xff;
	s5 =	smov.u32 s8;
	s8 =	smov.u32 s10;
	(pc) =	sbr.rel @p1 .LBB1_6-.Ltmp4, $4  }
0x8c: {  	s14 =	sadd.s32 $0x8, s14;
	s10 =	smov.u32 s11;
	s11 =	smov.u32 s13;
	v3 =	vld.msk [tilespmem:s13+$0xFFFFFFF0], $0xff;
	[tilespmem:s3+$0xFFFFFFFE ss:$0x81] =	vst.msk $0xff, v2  }
0x8d: {  	s13 =	smov.u32 s17;
	[tilespmem:s14+$0xFFFFFFF9 ss:$0x81] =	vst.msk $0xff, v5;
	v1 =	vld.msk [tilespmem:s5+$0x10], $0xff  }
0x8e: {  	v4 =	vld.msk [tilespmem:s17+$0xFFFFFFE8], $0xff;
	[tilespmem:s7+$0xFFFFFFFD ss:$0x81] =	vst.msk $0xff, v6  }
0x8f: {  	s17 =	sadd.s32 $0x40, s17;
	[tilespmem:s9+$0xFFFFFFFC ss:$0x81] =	vst.msk $0xff, v7;
	v2 =	vld.msk [tilespmem:s8+$0x8], $0xff  }
0x90: {  	_ =	sdelay $0x2  }
0x91: {  	[tilespmem:s14+$0xFFFFFFFA ss:$0x81] =	vst.msk $0xff, v4  }
0x92: {  	v4 =	vld.msk [tilespmem:s13+$0xFFFFFFF0], $0xff;
	_ =	sdelay $0x3  }
0x93: {  	[tilespmem:s12+$0xFFFFFFFB ss:$0x81] =	vst.msk $0xff, v3  }
0x94: {  	v3 =	vld.msk [tilespmem:s11+$0xFFFFFFF8], $0xff;
	[tilespmem:s14+$0xFFFFFFFB ss:$0x81] =	vst.msk $0xff, v4  }
0x95: {  	v4 =	vld.msk [tilespmem:s13+$0xFFFFFFF8], $0xff;
	_ =	sdelay $0x3  }
0x96: {  	v5 =	vld.msk [tilespmem:s10+$0x0], $0xff;
	[tilespmem:s12+$0xFFFFFFFC ss:$0x81] =	vst.msk $0xff, v3  }
0x97: {  	v3 =	vld.msk [tilespmem:s11+$0x0], $0xff;
	[tilespmem:s14+$0xFFFFFFFC ss:$0x81] =	vst.msk $0xff, v4  }
0x98: {  	v4 =	vld.msk [tilespmem:s13+$0x0], $0xff;
	_ =	sdelay $0x2  }
0x99: {  	[tilespmem:s9+$0xFFFFFFFD ss:$0x81] =	vst.msk $0xff, v5  }
0x9a: {  	v5 =	vld.msk [tilespmem:s10+$0x8], $0xff;
	[tilespmem:s12+$0xFFFFFFFD ss:$0x81] =	vst.msk $0xff, v3  }
0x9b: {  	v3 =	vld.msk [tilespmem:s11+$0x8], $0xff;
	[tilespmem:s14+$0xFFFFFFFD ss:$0x81] =	vst.msk $0xff, v4  }
0x9c: {  	v4 =	vld.msk [tilespmem:s13+$0x8], $0xff;
	_ =	sdelay $0x1  }
0x9d: {  	[tilespmem:s7+$0xFFFFFFFE ss:$0x81] =	vst.msk $0xff, v2  }
0x9e: {  	v2 =	vld.msk [tilespmem:s8+$0x10], $0xff;
	[tilespmem:s9+$0xFFFFFFFE ss:$0x81] =	vst.msk $0xff, v5  }
0x9f: {  	v5 =	vld.msk [tilespmem:s10+$0x10], $0xff;
	[tilespmem:s12+$0xFFFFFFFE ss:$0x81] =	vst.msk $0xff, v3  }
0xa0: {  	v3 =	vld.msk [tilespmem:s11+$0x10], $0xff;
	[tilespmem:s14+$0xFFFFFFFE ss:$0x81] =	vst.msk $0xff, v4  }
0xa1: {  	v4 =	vld.msk [tilespmem:s13+$0x10], $0xff  }
0xa2: {  	[tilespmem:s3+$0xFFFFFFFF ss:$0x81] =	vst.msk $0xff, v1  }
0xa3: {  	v1 =	vld.msk [tilespmem:s5+$0x18], $0xff;
	[tilespmem:s7+$0xFFFFFFFF ss:$0x81] =	vst.msk $0xff, v2  }
0xa4: {  	v2 =	vld.msk [tilespmem:s8+$0x18], $0xff;
	[tilespmem:s9+$0xFFFFFFFF ss:$0x81] =	vst.msk $0xff, v5  }
0xa5: {  	v61 =	vld.msk [tilespmem:s10+$0x18], $0xff;
	[tilespmem:s12+$0xFFFFFFFF ss:$0x81] =	vst.msk $0xff, v3  }
0xa6: {  	s25 =	sadd.s32 $0x1, s25;
	v62 =	vld.msk [tilespmem:s11+$0x18], $0xff;
	[tilespmem:s14+$0xFFFFFFFF ss:$0x81] =	vst.msk $0xff, v4  }
0xa7: {  	[tilespmem:s1+$0x0 ss:$0x81] =	vst.msk $0xff, v0;
	p1 =	sne.s32 s25, $0x10;
	v63 =	vld.msk [tilespmem:s13+$0x18], $0xff  }
.Ltmp5:
0xa8: {  	[tilespmem:s3+$0x0 ss:$0x81] =	vst.msk $0xff, v1;
	(pc) =	sbr.rel @p1 .LBB1_5-.Ltmp5, $4  }
0xa9: {  	[tilespmem:s7+$0x0 ss:$0x81] =	vst.msk $0xff, v2  }
0xaa: {  	[tilespmem:s9+$0x0 ss:$0x81] =	vst.msk $0xff, v61  }
0xab: {  	[tilespmem:s12+$0x0 ss:$0x81] =	vst.msk $0xff, v62  }
0xac: {  	s15 =	sadd.s32 $0x408, s15;
	s0 =	sadd.s32 $0x400, s0;
	[tilespmem:s14+$0x0 ss:$0x81] =	vst.msk $0xff, v63  }
0xad: {  	s0 =	sshll.u32 s30, $0x3  }
0xae: {  	s1 =	sand.u32 $0x7F, s30;
	s0 =	sand.u32 $0xFFFFFC00, s0  }
0xaf: {  	s1 =	sor.u32 s1, s0;
	s0 =	smulhi.u32 $0xAAAAAAAB, s0  }
0xb0: {  	s3 =	smulhi.u32 $0xAAAAAAAB, s1;
	_ =	sdelay $0x1  }
0xb1: {  	s5 =	smul.u32 $0x300, s29;
	s0 =	sshrl.u32 s0, $0x9;
	s3 =	sshrl.u32 s3, $0x9  }
0xb2: {  	s0 =	sand.u32 $0x7, s0;
	s3 =	smul.u32 $0x300, s3  }
0xb3: {  	s0 =	smul.u32 $0x60, s0  }
.Ltmp6:
0xb4: {  	s16 =	rddreg [dreg:$0x3];
	s1 =	ssub.s32 s1, s3;
	(pc) =	sbr.rel .LBB1_9-.Ltmp6, $4  }
0xb5: {  	s3 =	sadd.s32 s16, s5;
	s17 =	sand.u32 $0x7, s1  }
0xb6: {  	s1 =	sshrl.u32 s1, $0x3;
	s0 =	sadd.s32 s0, s3;
	s25 =	sshll.u32 s17, $0x12  }
0xb7: {  	s30 =	simm.s32 $0x1800;
	s0 =	sadd.s32 s1, s0;
	s29 =	sor.u32 $0x400, s25  }
0xb8: {  	[hbm4b:s0+s29] =	stream.strided.scatter [tilespmem:s31], [sflag:$0x2], $0x4000, s30, s29, $0x20;
	[tilespmem:$0x10100] =	vst v63  }
.LBB1_10:
0xb9: {  	_ =	sfence.sel $0x180000  }
0xba: {  	s0 =	simm.s32 $0x1;
	[bflag:$0x0] =	sbarrier.arrive $0xFFFF  }
0xbb: {  	s30 =	simm.s32 $0x2;
	[sflag:s0] =	ssyncpa.u1 $0x1  }
0xbc: {  	[sflag:s30] =	ssyncpa.u1 $0x1  }
0xbd: {  	_ =	strace $0x90000047  }
0xbe: {  	s31 =	stileid.u32;
	[bflag:$0x2] =	sbarrier.arrive $0xFFFF  }
0xbf: {  	p0 =	sne.s32 s31, $0x0;
	s0 =	rddreg [dreg:$0x1]  }
0xc0: {  	s0 =	sadd.s32 @!p0 $0x100000, s0  }
0xc1: {  	[sflag:s0] =	ssyncadd.tile.s32 @!p0 $0x1;
	_ =	shalt  }
.Lfunc_end1:
_tile_overlayer_lowered:
.L_overlay_start_2:
0xc2: {  	(tag) =	ssettag $0x2  }
0xc3: {  	s0 =	rddreg [dreg:$0x0];
	s2 =	stileid.u32  }
0xc4: {  	s1 =	rddreg [dreg:$0x1];
	p0 =	sne.s32 s2, $0x0  }
0xc5: {  	s3 =	rddreg [dreg:$0x2];
	[bflag:$0x3] =	sbarrier.arrive $0xFFFF;
	s2 =	simm.s32 @!p0 $0x1C01  }
0xc6: {  	[timem:s3], [sflag:s2] =	dma.local @!p0 [hbm:s0], s1  }
0xc7: {  	s0 =	simm.s32 @!p0 $0x1  }
0xc8: {  	_ =	swait.ge @!p0 [sflag:s0], s1  }
0xc9: {  	s1 =	ssub.s32 @!p0 $0x0, s1;
	[sflag:s0] =	ssyncset.done @!p0 $0x0  }
0xca: {  	[sflag:s0] =	ssyncadd.s32 @!p0 s1  }
0xcb: {  	[bflag:$0x3] =	sbarrier.arrive $0xFFFF  }
0xcc: {  	_ =	shalt  }

</sc_bundles>
